<compile_context>
chip_gen: v7x
topology: tpu7x:2x2x1
jax: 0.10.2.dev20260603
libtpu: 0.0.44.dev20260713+nightly
codegen_flags: <defaults>
</compile_context>

<pallas_src>
import functools

import jax
import jax.numpy as jnp
from jax import lax
from jax.experimental import pallas as pl
from jax.experimental.pallas import tpu as pltpu
from jax.experimental.pallas import tpu_sc as plsc

N = 10000
NPAD = 10008
F = 128
G = 40
NPG = 250
E = 320000
NW = 32
EPR = E // NW
K = 128
NROW = 80
EPW = NROW * K
VCOL = G
PADW = N * F + VCOL
RING = 2


def _tc_body(x_ref, wgcn_ref, wgraph_ref, wfinal_ref, bgcn_ref, bgraph_ref,
             consts_ref, t_ref, p_ref):
    inv = 1.0 / consts_ref[0, 0]
    h = lax.dot_general(x_ref[...], wgcn_ref[...], (((1,), (0,)), ((), ())),
                        preferred_element_type=jnp.float32) * inv
    t_ref[pl.ds(0, N), pl.ds(0, G)] = h
    v_col = lax.dot_general(wgraph_ref[...], wfinal_ref[...],
                            (((0,), (1,)), ((), ())),
                            preferred_element_type=jnp.float32)
    t_ref[pl.ds(0, N), pl.ds(VCOL, 1)] = v_col
    t_ref[pl.ds(N, NPAD - N), :] = jnp.zeros((NPAD - N, F), jnp.float32)
    rows = lax.broadcasted_iota(jnp.int32, (N, G), 0)
    cols = lax.broadcasted_iota(jnp.int32, (N, G), 1)
    mask = (rows >= cols * NPG) & (rows < (cols + 1) * NPG)
    hb = h + jnp.reshape(bgcn_ref[...], (1, G))
    sel = jnp.sum(jnp.where(mask, hb, 0.0), axis=1, keepdims=True)
    t12 = lax.dot_general(v_col, sel, (((0,), (0,)), ((), ())),
                          preferred_element_type=jnp.float32)
    wf = wfinal_ref[...]
    const2 = (jnp.sum(wf * jnp.reshape(bgraph_ref[...], (1, G)))
              - consts_ref[0, 1] * jnp.sum(wf))
    p_ref[...] = t12 + const2


_tc_call = pl.pallas_call(
    _tc_body,
    out_shape=(
        jax.ShapeDtypeStruct((NPAD, F), jnp.float32),
        jax.ShapeDtypeStruct((1, 1), jnp.float32),
    ),
)


def _sc_body(t_hbm, ei_hbm, out_hbm,
             src_v, dst_v, fh_v, fw_v, slab_h, slab_w, acc_v, *sems):
    wid = lax.axis_index("s") * 2 + lax.axis_index("c")
    pltpu.sync_copy(ei_hbm.at[pl.ds(wid * EPR, EPR)],
                    src_v.at[pl.ds(0, EPR)])
    pltpu.sync_copy(ei_hbm.at[pl.ds(E + wid * EPR, EPR)],
                    dst_v.at[pl.ds(0, EPR)])

    def idx_body(i, carry):
        j = lax.shift_right_logical(i, 3)
        o = lax.bitwise_and(i, 7) * 16
        e16 = i * 16 + lax.iota(jnp.int32, 16)
        valid = e16 < EPR
        s16 = src_v[pl.ds(i * 16, 16)]
        d16 = dst_v[pl.ds(i * 16, 16)]
        c16 = lax.shift_right_logical(d16 * 8389, 21)
        fh = jnp.where(valid, s16 * F + c16, 0)
        fw = jnp.where(valid, d16 * F + VCOL, PADW)
        fh_v[j, pl.ds(o, 16)] = fh
        fw_v[j, pl.ds(o, 16)] = fw
        return carry

    lax.fori_loop(0, EPW // 16, idx_body, 0)

    def issue_body(j, carry):
        pltpu.async_copy(t_hbm.at[fh_v.at[j]], slab_h.at[j], sems[0])
        pltpu.async_copy(t_hbm.at[fw_v.at[j]], slab_w.at[j], sems[1])
        return carry

    lax.fori_loop(0, NROW, issue_body, 0)

    def drain_body(j, carry):
        pltpu.make_async_copy(t_hbm.at[fh_v.at[j]], slab_h.at[j],
                              sems[0]).wait()
        pltpu.make_async_copy(t_hbm.at[fw_v.at[j]], slab_w.at[j],
                              sems[1]).wait()
        return carry

    lax.fori_loop(0, NROW, drain_body, 0)

    def fma_body(i, a):
        j = lax.shift_right_logical(i, 3)
        o = lax.bitwise_and(i, 7) * 16
        return (a + slab_h[j, pl.ds(o, 16)] * slab_w[j, pl.ds(o, 16)])

    acc_v[...] = lax.fori_loop(0, EPW // 16, fma_body,
                               jnp.zeros((16,), jnp.float32))
    pltpu.sync_copy(acc_v, out_hbm.at[wid])


@functools.cache
def _get_sc_call():
    return functools.partial(
        pl.kernel,
        mesh=plsc.VectorSubcoreMesh(core_axis_name="c", subcore_axis_name="s"),
        out_type=jax.ShapeDtypeStruct((NW, 16), jnp.float32),
        scratch_types=[
            pltpu.VMEM((EPW,), jnp.int32),
            pltpu.VMEM((EPW,), jnp.int32),
            pltpu.VMEM((NROW, K), jnp.int32),
            pltpu.VMEM((NROW, K), jnp.int32),
            pltpu.VMEM((NROW, K), jnp.float32),
            pltpu.VMEM((NROW, K), jnp.float32),
            pltpu.VMEM((16,), jnp.float32),
        ] + [pltpu.SemaphoreType.DMA] * 2,
    )(_sc_body)


def kernel(x, old_edge_index, W_gcn, b_gcn, W_graph, b_graph, W_final,
           b_final, node_scales, graph_scales, graph_means, final_scales,
           final_means):
    consts = jnp.stack([jnp.asarray(node_scales, jnp.float32),
                        jnp.asarray(final_means, jnp.float32)]).reshape(1, 2)
    t, p = _tc_call(x, W_gcn, W_graph, W_final, b_gcn, b_graph, consts)
    t_flat = jnp.reshape(t, (NPAD * F,))
    partials = _get_sc_call()(t_flat, jnp.reshape(old_edge_index, (2 * E,)))
    s = p[0, 0] + jnp.sum(partials)
    y = jax.nn.sigmoid(s / final_scales + b_final[0])
    return jnp.reshape(y, (1,))

# --- scband reference (transcript-rebuilt; emitter-appended) ---
"""Pipeline reference for scband-graph-net-56435870269624 (READ-ONLY COPY).

The authoritative reference and input builder live on the scoring server;
editing this copy changes nothing except your own understanding.
"""

import jax, jax.numpy as jnp
import numpy as np

NUM_NODES = 10000
NUM_GENES = 128
NUM_GRAPHS = 40
NODES_PER_GRAPH = np.full((NUM_GRAPHS,), 250, dtype=np.int64)
NUM_EDGES = 320000


def setup_inputs(seed: int = 0) -> dict:
    key = jax.random.key(seed)
    ks = jax.random.split(key, 8)
    x = jax.random.normal(ks[0], (NUM_NODES, NUM_GENES), dtype=jnp.float32)
    old_edge_index = jax.random.randint(ks[1], (2, NUM_EDGES), 0, NUM_NODES, dtype=jnp.int32)
    # GCNConv(num_genes, num_graphs, normalize=False) params (PyG: out = A_hat @ (x W) + b)
    W_gcn = jax.random.normal(ks[2], (NUM_GENES, NUM_GRAPHS), dtype=jnp.float32) * 0.02
    b_gcn = jnp.zeros((NUM_GRAPHS,), dtype=jnp.float32)
    # to_graph_layer: Linear(num_nodes, num_graphs); torch weight layout [out, in]
    W_graph = jax.random.normal(ks[3], (NUM_GRAPHS, NUM_NODES), dtype=jnp.float32) * 0.01
    b_graph = jnp.zeros((NUM_GRAPHS,), dtype=jnp.float32)
    # to_final_layer: Linear(num_graphs, 1)
    W_final = jax.random.normal(ks[4], (1, NUM_GRAPHS), dtype=jnp.float32) * 0.1
    b_final = jnp.zeros((1,), dtype=jnp.float32)
    node_scales = jnp.asarray(1.0, dtype=jnp.float32)
    graph_scales = jnp.asarray(1.0, dtype=jnp.float32)
    graph_means = jnp.asarray(0.0, dtype=jnp.float32)
    final_scales = jnp.asarray(1.0, dtype=jnp.float32)
    final_means = jnp.asarray(0.0, dtype=jnp.float32)
    return {"x": x, "old_edge_index": old_edge_index, "W_gcn": W_gcn, "b_gcn": b_gcn,
            "W_graph": W_graph, "b_graph": b_graph, "W_final": W_final, "b_final": b_final,
            "node_scales": node_scales, "graph_scales": graph_scales, "graph_means": graph_means,
            "final_scales": final_scales, "final_means": final_means}


def reference(x, old_edge_index, W_gcn, b_gcn, W_graph, b_graph, W_final, b_final,
              node_scales, graph_scales, graph_means, final_scales, final_means):
    N = x.shape[0]
    # add_self_loops(old_edge_index)
    self_loops = jnp.arange(N, dtype=old_edge_index.dtype)
    src = jnp.concatenate([old_edge_index[0], self_loops])
    dst = jnp.concatenate([old_edge_index[1], self_loops])
    # (the original also builds a dense adjacency 'adj' that is never used -> omitted)
    x = x / node_scales
    # GCNConv, normalize=False: h = x @ W; out[dst] += h[src]; + bias
    h = x @ W_gcn
    agg = jnp.zeros((N, h.shape[1]), dtype=h.dtype).at[dst].add(h[src])
    out = agg + b_gcn
    # per-graph column selection: node n in graph i takes out[n, i]
    graph_ids = jnp.asarray(np.repeat(np.arange(NUM_GRAPHS), NODES_PER_GRAPH))
    selected = jnp.take_along_axis(out, graph_ids[:, None], axis=1)[:, 0]
    _ = (selected - graph_means) / graph_scales  # computed then discarded in the original forward
    xg = selected
    g = W_graph @ xg + b_graph
    g = (g - final_means) / final_scales
    y = W_final @ g + b_final
    return jax.nn.sigmoid(y)

if __name__ == "__main__":
    import jax
    _d = setup_inputs()
    print(jax.jit(kernel)(*tuple(_d.values())))

</pallas_src>

<mosaic_0001>
#map = affine_map<(d0, d1) -> (0)>
#map1 = affine_map<(d0, d1) -> (0, 0)>
module attributes {stable_mosaic.version = 14 : i64} {
  func.func @_sc_body(%arg0: i32, %arg1: i32, %arg2: memref<1281024xf32, #tpu.memory_space<hbm>>, %arg3: memref<640000xi32, #tpu.memory_space<hbm>>, %arg4: memref<32x16xf32, #tpu.memory_space<hbm>>, %arg5: memref<10240xi32, #tpu.memory_space<vmem>>, %arg6: memref<10240xi32, #tpu.memory_space<vmem>>, %arg7: memref<80x128xi32, #tpu.memory_space<vmem>>, %arg8: memref<80x128xi32, #tpu.memory_space<vmem>>, %arg9: memref<80x128xf32, #tpu.memory_space<vmem>>, %arg10: memref<80x128xf32, #tpu.memory_space<vmem>>, %arg11: memref<16xf32, #tpu.memory_space<vmem>>, %arg12: memref<!tpu.dma_semaphore, #tpu.memory_space<semaphore_mem>>, %arg13: memref<!tpu.dma_semaphore, #tpu.memory_space<semaphore_mem>>) attributes {dimension_semantics = [#tpu.dimension_semantics<core_parallel>, #tpu.dimension_semantics<subcore_parallel>], iteration_bounds = array<i64: 2, 16>, scalar_prefetch = 0 : i64, scratch_operands = 9 : i64, tpu.core_type = #tpu.core_type<sc_vector_subcore>, window_params = [{transform_indices = #map}, {transform_indices = #map}, {transform_indices = #map1}]} {
    %mul3A = arith.constant 2 : i32
    %mul3A_0 = arith.muli %arg1, %mul3A : i32
    %add3A = arith.addi %mul3A_0, %arg0 : i32
    %mul3A_1 = arith.constant 10000 : i32
    %mul3A_2 = arith.muli %add3A, %mul3A_1 : i32
    "tpu.region"() ({
      %run_scoped3A = tpu.sem_alloc : memref<!tpu.dma_semaphore, #tpu.memory_space<semaphore_mem>>
      %dma_start3A = arith.constant 0 : i32
      %dma_start3A_34 = tpu.memref_slice %arg5[%dma_start3A] : memref<10240xi32, #tpu.memory_space<vmem>> -> memref<10000xi32, #tpu.memory_space<vmem>>
      %dma_start3A_35 = tpu.memref_slice %arg3[%mul3A_2] : memref<640000xi32, #tpu.memory_space<hbm>> -> memref<10000xi32, #tpu.memory_space<hbm>>
      %dma_start3A_36 = arith.constant 0 : i32
      %dma_start3A_37 = tpu.memref_slice %arg5[%dma_start3A_36] : memref<10240xi32, #tpu.memory_space<vmem>> -> memref<10000xi32, #tpu.memory_space<vmem>>
      %dma_start3A_38 = tpu.memref_slice %arg3[%mul3A_2] : memref<640000xi32, #tpu.memory_space<hbm>> -> memref<10000xi32, #tpu.memory_space<hbm>>
      tpu.enqueue_dma source(%dma_start3A_38 : memref<10000xi32, #tpu.memory_space<hbm>>) target(%dma_start3A_37 : memref<10000xi32, #tpu.memory_space<vmem>>) target_semaphore(%run_scoped3A : memref<!tpu.dma_semaphore, #tpu.memory_space<semaphore_mem>>)
      %dma_wait3A = arith.constant 0 : i32
      %dma_wait3A_39 = tpu.memref_slice %arg5[%dma_wait3A] : memref<10240xi32, #tpu.memory_space<vmem>> -> memref<10000xi32, #tpu.memory_space<vmem>>
      %dma_wait3A_40 = tpu.memref_slice %arg3[%mul3A_2] : memref<640000xi32, #tpu.memory_space<hbm>> -> memref<10000xi32, #tpu.memory_space<hbm>>
      %dma_wait3A_41 = arith.constant 0 : i32
      %dma_wait3A_42 = tpu.memref_slice %arg5[%dma_wait3A_41] : memref<10240xi32, #tpu.memory_space<vmem>> -> memref<10000xi32, #tpu.memory_space<vmem>>
      %dma_wait3A_43 = tpu.memref_slice %arg3[%mul3A_2] : memref<640000xi32, #tpu.memory_space<hbm>> -> memref<10000xi32, #tpu.memory_space<hbm>>
      tpu.wait_dma2 semaphore(%run_scoped3A : memref<!tpu.dma_semaphore, #tpu.memory_space<semaphore_mem>>) src(%dma_wait3A_43 : memref<10000xi32, #tpu.memory_space<hbm>>) dst(%dma_wait3A_42 : memref<10000xi32, #tpu.memory_space<vmem>>)
      tpu.yield
    }) : () -> ()
    %mul3A_3 = arith.constant 10000 : i32
    %mul3A_4 = arith.muli %add3A, %mul3A_3 : i32
    %add3A_5 = arith.constant 320000 : i32
    %add3A_6 = arith.addi %add3A_5, %mul3A_4 : i32
    "tpu.region"() ({
      %run_scoped3A = tpu.sem_alloc : memref<!tpu.dma_semaphore, #tpu.memory_space<semaphore_mem>>
      %dma_start3A = arith.constant 0 : i32
      %dma_start3A_34 = tpu.memref_slice %arg6[%dma_start3A] : memref<10240xi32, #tpu.memory_space<vmem>> -> memref<10000xi32, #tpu.memory_space<vmem>>
      %dma_start3A_35 = tpu.memref_slice %arg3[%add3A_6] : memref<640000xi32, #tpu.memory_space<hbm>> -> memref<10000xi32, #tpu.memory_space<hbm>>
      %dma_start3A_36 = arith.constant 0 : i32
      %dma_start3A_37 = tpu.memref_slice %arg6[%dma_start3A_36] : memref<10240xi32, #tpu.memory_space<vmem>> -> memref<10000xi32, #tpu.memory_space<vmem>>
      %dma_start3A_38 = tpu.memref_slice %arg3[%add3A_6] : memref<640000xi32, #tpu.memory_space<hbm>> -> memref<10000xi32, #tpu.memory_space<hbm>>
      tpu.enqueue_dma source(%dma_start3A_38 : memref<10000xi32, #tpu.memory_space<hbm>>) target(%dma_start3A_37 : memref<10000xi32, #tpu.memory_space<vmem>>) target_semaphore(%run_scoped3A : memref<!tpu.dma_semaphore, #tpu.memory_space<semaphore_mem>>)
      %dma_wait3A = arith.constant 0 : i32
      %dma_wait3A_39 = tpu.memref_slice %arg6[%dma_wait3A] : memref<10240xi32, #tpu.memory_space<vmem>> -> memref<10000xi32, #tpu.memory_space<vmem>>
      %dma_wait3A_40 = tpu.memref_slice %arg3[%add3A_6] : memref<640000xi32, #tpu.memory_space<hbm>> -> memref<10000xi32, #tpu.memory_space<hbm>>
      %dma_wait3A_41 = arith.constant 0 : i32
      %dma_wait3A_42 = tpu.memref_slice %arg6[%dma_wait3A_41] : memref<10240xi32, #tpu.memory_space<vmem>> -> memref<10000xi32, #tpu.memory_space<vmem>>
      %dma_wait3A_43 = tpu.memref_slice %arg3[%add3A_6] : memref<640000xi32, #tpu.memory_space<hbm>> -> memref<10000xi32, #tpu.memory_space<hbm>>
      tpu.wait_dma2 semaphore(%run_scoped3A : memref<!tpu.dma_semaphore, #tpu.memory_space<semaphore_mem>>) src(%dma_wait3A_43 : memref<10000xi32, #tpu.memory_space<hbm>>) dst(%dma_wait3A_42 : memref<10000xi32, #tpu.memory_space<vmem>>)
      tpu.yield
    }) : () -> ()
    %scan3A = arith.constant 0 : i32
    %scan3A_7 = arith.constant 0 : i32
    %scan3A_8 = arith.constant 640 : i32
    %scan3A_9 = arith.addi %scan3A_7, %scan3A_8 : i32
    %scan3A_10 = arith.constant 1 : i32
    scf.for %scan3A_34 = %scan3A_7 to %scan3A_9 step %scan3A_10  : i32 {
      %shift_right_logical3A = arith.constant 3 : i32
      %shift_right_logical3A_35 = arith.shrui %scan3A_34, %shift_right_logical3A : i32
      %and3A = arith.constant 7 : i32
      %and3A_36 = arith.andi %scan3A_34, %and3A : i32
      %mul3A_37 = arith.constant 16 : i32
      %mul3A_38 = arith.muli %and3A_36, %mul3A_37 : i32
      %mul3A_39 = arith.constant 16 : i32
      %mul3A_40 = arith.muli %scan3A_34, %mul3A_39 : i32
      %iota3A = tpu.iota {dimensions = array<i32: 0>} : vector<16xi32>
      %add3A_41 = vector.broadcast %mul3A_40 : i32 to vector<16xi32>
      %add3A_42 = arith.addi %add3A_41, %iota3A : vector<16xi32>
      %lt3A = arith.constant 10000 : i32
      %lt3A_43 = vector.broadcast %lt3A : i32 to vector<16xi32>
      %lt3A_44 = arith.cmpi slt, %add3A_42, %lt3A_43 : vector<16xi32>
      %mul3A_45 = arith.constant 16 : i32
      %mul3A_46 = arith.muli %scan3A_34, %mul3A_45 : i32
      %get3A = arith.index_cast %mul3A_46 : i32 to index
      %get3A_47 = tpu.vector_load %arg5[%get3A] {strides = array<i32>} : memref<10240xi32, #tpu.memory_space<vmem>>, vector<16xi32>,
      %get3A_48 = vector.shape_cast %get3A_47 : vector<16xi32> to vector<16xi32>
      %mul3A_49 = arith.constant 16 : i32
      %mul3A_50 = arith.muli %scan3A_34, %mul3A_49 : i32
      %get3A_51 = arith.index_cast %mul3A_50 : i32 to index
      %get3A_52 = tpu.vector_load %arg6[%get3A_51] {strides = array<i32>} : memref<10240xi32, #tpu.memory_space<vmem>>, vector<16xi32>,
      %get3A_53 = vector.shape_cast %get3A_52 : vector<16xi32> to vector<16xi32>
      %mul3A_54 = arith.constant 8389 : i32
      %mul3A_55 = vector.broadcast %mul3A_54 : i32 to vector<16xi32>
      %mul3A_56 = arith.muli %get3A_53, %mul3A_55 : vector<16xi32>
      %shift_right_logical3A_57 = arith.constant 21 : i32
      %shift_right_logical3A_58 = vector.broadcast %shift_right_logical3A_57 : i32 to vector<16xi32>
      %shift_right_logical3A_59 = arith.shrui %mul3A_56, %shift_right_logical3A_58 : vector<16xi32>
      %mul3A_60 = arith.constant 128 : i32
      %mul3A_61 = vector.broadcast %mul3A_60 : i32 to vector<16xi32>
      %mul3A_62 = arith.muli %get3A_48, %mul3A_61 : vector<16xi32>
      %add3A_63 = arith.addi %mul3A_62, %shift_right_logical3A_59 : vector<16xi32>
      %jit3A = arith.constant 0 : i32
      %broadcast_in_dim3A_64 = vector.broadcast %jit3A : i32 to vector<16xi32>
      %select_n3A = arith.select %lt3A_44, %add3A_63, %broadcast_in_dim3A_64 : vector<16xi1>, vector<16xi32>
      %mul3A_65 = arith.constant 128 : i32
      %mul3A_66 = vector.broadcast %mul3A_65 : i32 to vector<16xi32>
      %mul3A_67 = arith.muli %get3A_53, %mul3A_66 : vector<16xi32>
      %add3A_68 = arith.constant 40 : i32
      %add3A_69 = vector.broadcast %add3A_68 : i32 to vector<16xi32>
      %add3A_70 = arith.addi %mul3A_67, %add3A_69 : vector<16xi32>
      %jit3A_71 = arith.constant 1280040 : i32
      %broadcast_in_dim3A_72 = vector.broadcast %jit3A_71 : i32 to vector<16xi32>
      %select_n3A_73 = arith.select %lt3A_44, %add3A_70, %broadcast_in_dim3A_72 : vector<16xi1>, vector<16xi32>
      %swap3A_74 = arith.index_cast %shift_right_logical3A_35 : i32 to index
      %swap3A_75 = arith.index_cast %mul3A_38 : i32 to index
      %swap3A_76 = tpu.vector_load %arg7[%swap3A_74, %swap3A_75] {strides = array<i32>} : memref<80x128xi32, #tpu.memory_space<vmem>>, vector<1x16xi32>,
      %swap3A_77 = vector.shape_cast %swap3A_76 : vector<1x16xi32> to vector<16xi32>
      %swap3A_78 = vector.shape_cast %select_n3A : vector<16xi32> to vector<1x16xi32>
      tpu.vector_store %arg7[%swap3A_74, %swap3A_75], %swap3A_78 {strides = array<i32>} : memref<80x128xi32, #tpu.memory_space<vmem>>, vector<1x16xi32>,
      %swap3A_79 = arith.index_cast %shift_right_logical3A_35 : i32 to index
      %swap3A_80 = arith.index_cast %mul3A_38 : i32 to index
      %swap3A_81 = tpu.vector_load %arg8[%swap3A_79, %swap3A_80] {strides = array<i32>} : memref<80x128xi32, #tpu.memory_space<vmem>>, vector<1x16xi32>,
      %swap3A_82 = vector.shape_cast %swap3A_81 : vector<1x16xi32> to vector<16xi32>
      %swap3A_83 = vector.shape_cast %select_n3A_73 : vector<16xi32> to vector<1x16xi32>
      tpu.vector_store %arg8[%swap3A_79, %swap3A_80], %swap3A_83 {strides = array<i32>} : memref<80x128xi32, #tpu.memory_space<vmem>>, vector<1x16xi32>,
    }
    %scan3A_11 = arith.constant 640 : i32
    %scan3A_12 = arith.constant 0 : i32
    %scan3A_13 = arith.constant 0 : i32
    %scan3A_14 = arith.constant 80 : i32
    %scan3A_15 = arith.addi %scan3A_13, %scan3A_14 : i32
    %scan3A_16 = arith.constant 1 : i32
    scf.for %scan3A_34 = %scan3A_13 to %scan3A_15 step %scan3A_16  : i32 {
      %dma_start3A = arith.constant 0 : i32
      %dma_start3A_35 = tpu.memref_slice %arg9[%scan3A_34, %dma_start3A] : memref<80x128xf32, #tpu.memory_space<vmem>> -> memref<1x128xf32, #tpu.memory_space<vmem>>
      %dma_start3A_36 = tpu.memref_squeeze %dma_start3A_35 : memref<1x128xf32, #tpu.memory_space<vmem>> -> memref<128xf32, #tpu.memory_space<vmem>>
      %dma_start3A_37 = arith.constant 0 : i32
      %dma_start3A_38 = tpu.memref_slice %arg7[%scan3A_34, %dma_start3A_37] : memref<80x128xi32, #tpu.memory_space<vmem>> -> memref<1x128xi32, #tpu.memory_space<vmem>>
      %dma_start3A_39 = tpu.memref_squeeze %dma_start3A_38 : memref<1x128xi32, #tpu.memory_space<vmem>> -> memref<128xi32, #tpu.memory_space<vmem>>
      %dma_start3A_40 = arith.constant 0 : i32
      %dma_start3A_41 = tpu.memref_slice %arg2[%dma_start3A_40] : memref<1281024xf32, #tpu.memory_space<hbm>> -> memref<1281024xf32, #tpu.memory_space<hbm>>
      tpu.enqueue_indirect_dma source(%dma_start3A_41 : memref<1281024xf32, #tpu.memory_space<hbm>>) target(%dma_start3A_36 : memref<128xf32, #tpu.memory_space<vmem>>) offsets(%dma_start3A_39 : memref<128xi32, #tpu.memory_space<vmem>>) semaphore(%arg12 : memref<!tpu.dma_semaphore, #tpu.memory_space<semaphore_mem>>)
      %dma_start3A_42 = arith.constant 0 : i32
      %dma_start3A_43 = tpu.memref_slice %arg10[%scan3A_34, %dma_start3A_42] : memref<80x128xf32, #tpu.memory_space<vmem>> -> memref<1x128xf32, #tpu.memory_space<vmem>>
      %dma_start3A_44 = tpu.memref_squeeze %dma_start3A_43 : memref<1x128xf32, #tpu.memory_space<vmem>> -> memref<128xf32, #tpu.memory_space<vmem>>
      %dma_start3A_45 = arith.constant 0 : i32
      %dma_start3A_46 = tpu.memref_slice %arg8[%scan3A_34, %dma_start3A_45] : memref<80x128xi32, #tpu.memory_space<vmem>> -> memref<1x128xi32, #tpu.memory_space<vmem>>
      %dma_start3A_47 = tpu.memref_squeeze %dma_start3A_46 : memref<1x128xi32, #tpu.memory_space<vmem>> -> memref<128xi32, #tpu.memory_space<vmem>>
      %dma_start3A_48 = arith.constant 0 : i32
      %dma_start3A_49 = tpu.memref_slice %arg2[%dma_start3A_48] : memref<1281024xf32, #tpu.memory_space<hbm>> -> memref<1281024xf32, #tpu.memory_space<hbm>>
      tpu.enqueue_indirect_dma source(%dma_start3A_49 : memref<1281024xf32, #tpu.memory_space<hbm>>) target(%dma_start3A_44 : memref<128xf32, #tpu.memory_space<vmem>>) offsets(%dma_start3A_47 : memref<128xi32, #tpu.memory_space<vmem>>) semaphore(%arg13 : memref<!tpu.dma_semaphore, #tpu.memory_space<semaphore_mem>>)
    }
    %scan3A_17 = arith.constant 80 : i32
    %scan3A_18 = arith.constant 0 : i32
    %scan3A_19 = arith.constant 0 : i32
    %scan3A_20 = arith.constant 80 : i32
    %scan3A_21 = arith.addi %scan3A_19, %scan3A_20 : i32
    %scan3A_22 = arith.constant 1 : i32
    scf.for %scan3A_34 = %scan3A_19 to %scan3A_21 step %scan3A_22  : i32 {
      %dma_wait3A = arith.constant 0 : i32
      %dma_wait3A_35 = tpu.memref_slice %arg9[%scan3A_34, %dma_wait3A] : memref<80x128xf32, #tpu.memory_space<vmem>> -> memref<1x128xf32, #tpu.memory_space<vmem>>
      %dma_wait3A_36 = tpu.memref_squeeze %dma_wait3A_35 : memref<1x128xf32, #tpu.memory_space<vmem>> -> memref<128xf32, #tpu.memory_space<vmem>>
      %dma_wait3A_37 = arith.constant 0 : i32
      %dma_wait3A_38 = tpu.memref_slice %arg7[%scan3A_34, %dma_wait3A_37] : memref<80x128xi32, #tpu.memory_space<vmem>> -> memref<1x128xi32, #tpu.memory_space<vmem>>
      %dma_wait3A_39 = tpu.memref_squeeze %dma_wait3A_38 : memref<1x128xi32, #tpu.memory_space<vmem>> -> memref<128xi32, #tpu.memory_space<vmem>>
      %dma_wait3A_40 = arith.constant 0 : i32
      %dma_wait3A_41 = tpu.memref_slice %arg2[%dma_wait3A_40] : memref<1281024xf32, #tpu.memory_space<hbm>> -> memref<1281024xf32, #tpu.memory_space<hbm>>
      tpu.wait_indirect_dma semaphore(%arg12 : memref<!tpu.dma_semaphore, #tpu.memory_space<semaphore_mem>>) src(%dma_wait3A_41 : memref<1281024xf32, #tpu.memory_space<hbm>>) dst(%dma_wait3A_36 : memref<128xf32, #tpu.memory_space<vmem>>)
      %dma_wait3A_42 = arith.constant 0 : i32
      %dma_wait3A_43 = tpu.memref_slice %arg10[%scan3A_34, %dma_wait3A_42] : memref<80x128xf32, #tpu.memory_space<vmem>> -> memref<1x128xf32, #tpu.memory_space<vmem>>
      %dma_wait3A_44 = tpu.memref_squeeze %dma_wait3A_43 : memref<1x128xf32, #tpu.memory_space<vmem>> -> memref<128xf32, #tpu.memory_space<vmem>>
      %dma_wait3A_45 = arith.constant 0 : i32
      %dma_wait3A_46 = tpu.memref_slice %arg8[%scan3A_34, %dma_wait3A_45] : memref<80x128xi32, #tpu.memory_space<vmem>> -> memref<1x128xi32, #tpu.memory_space<vmem>>
      %dma_wait3A_47 = tpu.memref_squeeze %dma_wait3A_46 : memref<1x128xi32, #tpu.memory_space<vmem>> -> memref<128xi32, #tpu.memory_space<vmem>>
      %dma_wait3A_48 = arith.constant 0 : i32
      %dma_wait3A_49 = tpu.memref_slice %arg2[%dma_wait3A_48] : memref<1281024xf32, #tpu.memory_space<hbm>> -> memref<1281024xf32, #tpu.memory_space<hbm>>
      tpu.wait_indirect_dma semaphore(%arg13 : memref<!tpu.dma_semaphore, #tpu.memory_space<semaphore_mem>>) src(%dma_wait3A_49 : memref<1281024xf32, #tpu.memory_space<hbm>>) dst(%dma_wait3A_44 : memref<128xf32, #tpu.memory_space<vmem>>)
    }
    %scan3A_23 = arith.constant 80 : i32
    %broadcast_in_dim3A = arith.constant 0.000000e+00 : f32
    %broadcast_in_dim3A_24 = vector.broadcast %broadcast_in_dim3A : f32 to vector<16xf32>
    %scan3A_25 = arith.constant 0 : i32
    %scan3A_26 = arith.constant 640 : i32
    %scan3A_27 = arith.addi %scan3A_25, %scan3A_26 : i32
    %scan3A_28 = arith.constant 1 : i32
    %scan3A_29 = scf.for %scan3A_34 = %scan3A_25 to %scan3A_27 step %scan3A_28 iter_args(%scan3A_35 = %broadcast_in_dim3A_24) -> (vector<16xf32>)  : i32 {
      %shift_right_logical3A = arith.constant 3 : i32
      %shift_right_logical3A_36 = arith.shrui %scan3A_34, %shift_right_logical3A : i32
      %and3A = arith.constant 7 : i32
      %and3A_37 = arith.andi %scan3A_34, %and3A : i32
      %mul3A_38 = arith.constant 16 : i32
      %mul3A_39 = arith.muli %and3A_37, %mul3A_38 : i32
      %get3A = arith.index_cast %shift_right_logical3A_36 : i32 to index
      %get3A_40 = arith.index_cast %mul3A_39 : i32 to index
      %get3A_41 = tpu.vector_load %arg9[%get3A, %get3A_40] {strides = array<i32>} : memref<80x128xf32, #tpu.memory_space<vmem>>, vector<1x16xf32>,
      %get3A_42 = vector.shape_cast %get3A_41 : vector<1x16xf32> to vector<16xf32>
      %get3A_43 = arith.index_cast %shift_right_logical3A_36 : i32 to index
      %get3A_44 = arith.index_cast %mul3A_39 : i32 to index
      %get3A_45 = tpu.vector_load %arg10[%get3A_43, %get3A_44] {strides = array<i32>} : memref<80x128xf32, #tpu.memory_space<vmem>>, vector<1x16xf32>,
      %get3A_46 = vector.shape_cast %get3A_45 : vector<1x16xf32> to vector<16xf32>
      %mul3A_47 = arith.mulf %get3A_42, %get3A_46 : vector<16xf32>
      %add3A_48 = arith.addf %scan3A_35, %mul3A_47 : vector<16xf32>
      scf.yield %add3A_48 : vector<16xf32>
    }
    %scan3A_30 = arith.constant 640 : i32
    %swap3A = arith.constant 0 : index
    %swap3A_31 = tpu.vector_load %arg11[%swap3A] {strides = array<i32>} : memref<16xf32, #tpu.memory_space<vmem>>, vector<16xf32>,
    %swap3A_32 = vector.shape_cast %swap3A_31 : vector<16xf32> to vector<16xf32>
    %swap3A_33 = vector.shape_cast %scan3A_29 : vector<16xf32> to vector<16xf32>
    tpu.vector_store %arg11[%swap3A], %swap3A_33 {strides = array<i32>} : memref<16xf32, #tpu.memory_space<vmem>>, vector<16xf32>,
    "tpu.region"() ({
      %run_scoped3A = tpu.sem_alloc : memref<!tpu.dma_semaphore, #tpu.memory_space<semaphore_mem>>
      %dma_start3A = arith.constant 0 : i32
      %dma_start3A_34 = tpu.memref_slice %arg4[%add3A, %dma_start3A] : memref<32x16xf32, #tpu.memory_space<hbm>> -> memref<1x16xf32, #tpu.memory_space<hbm>>
      %dma_start3A_35 = tpu.memref_squeeze %dma_start3A_34 : memref<1x16xf32, #tpu.memory_space<hbm>> -> memref<16xf32, #tpu.memory_space<hbm>>
      %dma_start3A_36 = arith.constant 0 : i32
      %dma_start3A_37 = tpu.memref_slice %arg4[%add3A, %dma_start3A_36] : memref<32x16xf32, #tpu.memory_space<hbm>> -> memref<1x16xf32, #tpu.memory_space<hbm>>
      %dma_start3A_38 = tpu.memref_squeeze %dma_start3A_37 : memref<1x16xf32, #tpu.memory_space<hbm>> -> memref<16xf32, #tpu.memory_space<hbm>>
      tpu.enqueue_dma source(%arg11 : memref<16xf32, #tpu.memory_space<vmem>>) target(%dma_start3A_38 : memref<16xf32, #tpu.memory_space<hbm>>) target_semaphore(%run_scoped3A : memref<!tpu.dma_semaphore, #tpu.memory_space<semaphore_mem>>)
      %dma_wait3A = arith.constant 0 : i32
      %dma_wait3A_39 = tpu.memref_slice %arg4[%add3A, %dma_wait3A] : memref<32x16xf32, #tpu.memory_space<hbm>> -> memref<1x16xf32, #tpu.memory_space<hbm>>
      %dma_wait3A_40 = tpu.memref_squeeze %dma_wait3A_39 : memref<1x16xf32, #tpu.memory_space<hbm>> -> memref<16xf32, #tpu.memory_space<hbm>>
      %dma_wait3A_41 = arith.constant 0 : i32
      %dma_wait3A_42 = tpu.memref_slice %arg4[%add3A, %dma_wait3A_41] : memref<32x16xf32, #tpu.memory_space<hbm>> -> memref<1x16xf32, #tpu.memory_space<hbm>>
      %dma_wait3A_43 = tpu.memref_squeeze %dma_wait3A_42 : memref<1x16xf32, #tpu.memory_space<hbm>> -> memref<16xf32, #tpu.memory_space<hbm>>
      tpu.wait_dma2 semaphore(%run_scoped3A : memref<!tpu.dma_semaphore, #tpu.memory_space<semaphore_mem>>) src(%arg11 : memref<16xf32, #tpu.memory_space<vmem>>) dst(%dma_wait3A_43 : memref<16xf32, #tpu.memory_space<hbm>>)
      tpu.yield
    }) : () -> ()
    return
  }
}

module attributes {stable_mosaic.version = 14 : i64} {
  func.func @_tc_body(%arg0: memref<10000x128xf32, #tpu.memory_space<vmem>>, %arg1: memref<128x40xf32, #tpu.memory_space<vmem>>, %arg2: memref<40x10000xf32, #tpu.memory_space<vmem>>, %arg3: memref<1x40xf32, #tpu.memory_space<vmem>>, %arg4: memref<40xf32, #tpu.memory_space<vmem>>, %arg5: memref<40xf32, #tpu.memory_space<vmem>>, %arg6: memref<1x2xf32, #tpu.memory_space<vmem>>, %arg7: memref<10008x128xf32, #tpu.memory_space<vmem>>, %arg8: memref<1x1xf32, #tpu.memory_space<vmem>>) attributes {dimension_semantics = [], scalar_prefetch = 0 : i64, scratch_operands = 0 : i64, tpu.core_type = #tpu.core_type<tc>} {
    %get3A = arith.constant 0 : index
    %get3A_0 = arith.constant 0 : index
    %get3A_1 = vector.load %arg6[%get3A, %get3A_0] : memref<1x2xf32, #tpu.memory_space<vmem>>, vector<1x1xf32>
    %get3A_2 = vector.extract %get3A_1[0, 0] : f32 from vector<1x1xf32>
    %div3A = arith.constant 1.000000e+00 : f32
    %div3A_3 = arith.divf %div3A, %get3A_2 : f32
    %get3A_4 = arith.constant 0 : index
    %get3A_5 = arith.constant 0 : index
    %get3A_6 = vector.load %arg0[%get3A_4, %get3A_5] : memref<10000x128xf32, #tpu.memory_space<vmem>>, vector<10000x128xf32>
    %get3A_7 = arith.constant 0 : index
    %get3A_8 = arith.constant 0 : index
    %get3A_9 = vector.load %arg1[%get3A_7, %get3A_8] : memref<128x40xf32, #tpu.memory_space<vmem>>, vector<128x40xf32>
    %dot_general3A = arith.constant dense<0.000000e+00> : vector<10000x40xf32>
    %dot_general3A_10 = tpu.matmul %get3A_6, %get3A_9, %dot_general3A {dimension_numbers = #tpu.dot_dimension_numbers<[1], [0], [0], [1], [0, 0, 1, 1], [], []>, transpose_lhs_hint = false} : vector<10000x128xf32>, vector<128x40xf32>, vector<10000x40xf32> -> vector<10000x40xf32>
    %mul3A = vector.broadcast %div3A_3 : f32 to vector<10000x40xf32>
    %mul3A_11 = arith.mulf %dot_general3A_10, %mul3A : vector<10000x40xf32>
    %swap3A = arith.constant 0 : index
    %swap3A_12 = arith.constant 0 : index
    %swap3A_13 = vector.load %arg7[%swap3A, %swap3A_12] : memref<10008x128xf32, #tpu.memory_space<vmem>>, vector<10000x40xf32>
    tpu.vector_store %arg7[%swap3A, %swap3A_12], %mul3A_11 {strides = array<i32>} : memref<10008x128xf32, #tpu.memory_space<vmem>>, vector<10000x40xf32>,
    %get3A_14 = arith.constant 0 : index
    %get3A_15 = arith.constant 0 : index
    %get3A_16 = vector.load %arg2[%get3A_14, %get3A_15] : memref<40x10000xf32, #tpu.memory_space<vmem>>, vector<40x10000xf32>
    %get3A_17 = arith.constant 0 : index
    %get3A_18 = arith.constant 0 : index
    %get3A_19 = vector.load %arg3[%get3A_17, %get3A_18] : memref<1x40xf32, #tpu.memory_space<vmem>>, vector<1x40xf32>
    %dot_general3A_20 = arith.constant dense<0.000000e+00> : vector<10000x1xf32>
    %dot_general3A_21 = tpu.matmul %get3A_16, %get3A_19, %dot_general3A_20 {dimension_numbers = #tpu.dot_dimension_numbers<[0], [1], [1], [0], [0, 1, 1, 0], [], []>, transpose_lhs_hint = false} : vector<40x10000xf32>, vector<1x40xf32>, vector<10000x1xf32> -> vector<10000x1xf32>
    %swap3A_22 = arith.constant 0 : index
    %swap3A_23 = arith.constant 40 : index
    %swap3A_24 = vector.load %arg7[%swap3A_22, %swap3A_23] : memref<10008x128xf32, #tpu.memory_space<vmem>>, vector<10000x1xf32>
    tpu.vector_store %arg7[%swap3A_22, %swap3A_23], %dot_general3A_21 {strides = array<i32>} : memref<10008x128xf32, #tpu.memory_space<vmem>>, vector<10000x1xf32>,
    %broadcast_in_dim3A = arith.constant 0.000000e+00 : f32
    %broadcast_in_dim3A_25 = vector.broadcast %broadcast_in_dim3A : f32 to vector<8x128xf32>
    %swap3A_26 = arith.constant 10000 : index
    %swap3A_27 = arith.constant 0 : index
    %swap3A_28 = vector.load %arg7[%swap3A_26, %swap3A_27] : memref<10008x128xf32, #tpu.memory_space<vmem>>, vector<8x128xf32>
    tpu.vector_store %arg7[%swap3A_26, %swap3A_27], %broadcast_in_dim3A_25 {strides = array<i32>} : memref<10008x128xf32, #tpu.memory_space<vmem>>, vector<8x128xf32>,
    %iota3A = tpu.iota {dimensions = array<i32: 0>} : vector<10000x40xi32>
    %iota3A_29 = tpu.iota {dimensions = array<i32: 1>} : vector<10000x40xi32>
    %mul3A_30 = arith.constant 250 : i32
    %mul3A_31 = vector.broadcast %mul3A_30 : i32 to vector<10000x40xi32>
    %mul3A_32 = arith.muli %iota3A_29, %mul3A_31 : vector<10000x40xi32>
    %ge3A = arith.cmpi sge, %iota3A, %mul3A_32 : vector<10000x40xi32>
    %add3A = arith.constant 1 : i32
    %add3A_33 = vector.broadcast %add3A : i32 to vector<10000x40xi32>
    %add3A_34 = arith.addi %iota3A_29, %add3A_33 : vector<10000x40xi32>
    %mul3A_35 = arith.constant 250 : i32
    %mul3A_36 = vector.broadcast %mul3A_35 : i32 to vector<10000x40xi32>
    %mul3A_37 = arith.muli %add3A_34, %mul3A_36 : vector<10000x40xi32>
    %lt3A = arith.cmpi slt, %iota3A, %mul3A_37 : vector<10000x40xi32>
    %and3A = arith.andi %ge3A, %lt3A : vector<10000x40xi1>
    %get3A_38 = arith.constant 0 : index
    %get3A_39 = vector.load %arg4[%get3A_38] : memref<40xf32, #tpu.memory_space<vmem>>, vector<40xf32>
    %reshape3A = vector.shape_cast %get3A_39 : vector<40xf32> to vector<1x40xf32>
    %add3A_40 = vector.broadcast %reshape3A : vector<1x40xf32> to vector<10000x40xf32>
    %add3A_41 = arith.addf %mul3A_11, %add3A_40 : vector<10000x40xf32>
    %jit3A = arith.constant 0.000000e+00 : f32
    %broadcast_in_dim3A_42 = vector.broadcast %jit3A : f32 to vector<10000x40xf32>
    %select_n3A = arith.select %and3A, %add3A_41, %broadcast_in_dim3A_42 : vector<10000x40xi1>, vector<10000x40xf32>
    %reduce_sum3A = arith.constant dense<0.000000e+00> : vector<10000xf32>
    %reduce_sum3A_43 = vector.multi_reduction <add>, %select_n3A, %reduce_sum3A [1] : vector<10000x40xf32> to vector<10000xf32>
    %broadcast_in_dim3A_44 = vector.shape_cast %reduce_sum3A_43 : vector<10000xf32> to vector<10000x1xf32>
    %dot_general3A_45 = arith.constant dense<0.000000e+00> : vector<1x1xf32>
    %dot_general3A_46 = tpu.matmul %dot_general3A_21, %broadcast_in_dim3A_44, %dot_general3A_45 {dimension_numbers = #tpu.dot_dimension_numbers<[0], [0], [1], [1], [0, 1, 1, 1], [], []>, transpose_lhs_hint = false} : vector<10000x1xf32>, vector<10000x1xf32>, vector<1x1xf32> -> vector<1x1xf32>
    %get3A_47 = arith.constant 0 : index
    %get3A_48 = arith.constant 0 : index
    %get3A_49 = vector.load %arg3[%get3A_47, %get3A_48] : memref<1x40xf32, #tpu.memory_space<vmem>>, vector<1x40xf32>
    %get3A_50 = arith.constant 0 : index
    %get3A_51 = vector.load %arg5[%get3A_50] : memref<40xf32, #tpu.memory_space<vmem>>, vector<40xf32>
    %reshape3A_52 = vector.shape_cast %get3A_51 : vector<40xf32> to vector<1x40xf32>
    %mul3A_53 = arith.mulf %get3A_49, %reshape3A_52 : vector<1x40xf32>
    %reduce_sum3A_54 = vector.shape_cast %mul3A_53 : vector<1x40xf32> to vector<1x1x40xf32>
    %reduce_sum3A_55 = arith.constant dense<0.000000e+00> : vector<1xf32>
    %reduce_sum3A_56 = vector.multi_reduction <add>, %reduce_sum3A_54, %reduce_sum3A_55 [1, 2] : vector<1x1x40xf32> to vector<1xf32>
    %reduce_sum3A_57 = vector.shape_cast %reduce_sum3A_56 : vector<1xf32> to vector<1x1x1xf32>
    %reduce_sum3A_58 = vector.extract %reduce_sum3A_57[0, 0, 0] : f32 from vector<1x1x1xf32>
    %get3A_59 = arith.constant 0 : index
    %get3A_60 = arith.constant 1 : index
    %get3A_61 = vector.load %arg6[%get3A_59, %get3A_60] : memref<1x2xf32, #tpu.memory_space<vmem>>, vector<1x1xf32>
    %get3A_62 = vector.extract %get3A_61[0, 0] : f32 from vector<1x1xf32>
    %reduce_sum3A_63 = vector.shape_cast %get3A_49 : vector<1x40xf32> to vector<1x1x40xf32>
    %reduce_sum3A_64 = arith.constant dense<0.000000e+00> : vector<1xf32>
    %reduce_sum3A_65 = vector.multi_reduction <add>, %reduce_sum3A_63, %reduce_sum3A_64 [1, 2] : vector<1x1x40xf32> to vector<1xf32>
    %reduce_sum3A_66 = vector.shape_cast %reduce_sum3A_65 : vector<1xf32> to vector<1x1x1xf32>
    %reduce_sum3A_67 = vector.extract %reduce_sum3A_66[0, 0, 0] : f32 from vector<1x1x1xf32>
    %mul3A_68 = arith.mulf %get3A_62, %reduce_sum3A_67 : f32
    %sub3A = arith.subf %reduce_sum3A_58, %mul3A_68 : f32
    %add3A_69 = vector.broadcast %sub3A : f32 to vector<1x1xf32>
    %add3A_70 = arith.addf %dot_general3A_46, %add3A_69 : vector<1x1xf32>
    %swap3A_71 = arith.constant 0 : index
    %swap3A_72 = arith.constant 0 : index
    %swap3A_73 = vector.load %arg8[%swap3A_71, %swap3A_72] : memref<1x1xf32, #tpu.memory_space<vmem>>, vector<1x1xf32>
    tpu.vector_store %arg8[%swap3A_71, %swap3A_72], %add3A_70 {strides = array<i32>} : memref<1x1xf32, #tpu.memory_space<vmem>>, vector<1x1xf32>,
    return
  }
}

</mosaic_0001>

<sc_bundles>
// kernel: kernel.4.cloned.1.call-start
scs
__scs_entry_jumppad:
0x0: {  	(pc) =	sbr.rel $0x88, $3  }
0x1: {  	(tag) =	ssettag $0x0;
	lr =	simm.s32 $0x1  }
0x2: {  	[smem:$0x3F96] =	sst lr;
	_ =	strace $0xD0000000  }
0x3: {  	_ = 	snop  }
0x4: {  	_ = 	snop  }
0x5: {  	_ = 	snop  }
0x6: {  	_ = 	snop  }
0x7: {  	_ = 	snop  }
__scs_overlays_trampoline_lowered:
0x8: {  	[smem:$0x3FA5] =	sst s0  }
0x9: {  	[smem:$0x3FA6] =	sst s1  }
0xa: {  	[smem:$0x3FA7] =	sst s2  }
0xb: {  	[smem:$0x3FA8] =	sst s3  }
0xc: {  	[smem:$0x3FA9] =	sst s4  }
0xd: {  	[smem:$0x3FAA] =	sst s5  }
0xe: {  	[smem:$0x3FAB] =	sst s6  }
0xf: {  	[smem:$0x3FAC] =	sst s7  }
0x10: {  	[smem:$0x3FAD] =	sst s8  }
0x11: {  	[smem:$0x3FAE] =	sst s9;
	s0 =	simm.s32 @!p0 $0x0  }
0x12: {  	s1 =	sld [smem:$0x3F94];
	s0 =	simm.s32 @p0 $0x1  }
0x13: {  	[smem:$0x3FAF] =	sst s0;
	s0 =	simm.s32 @!p1 $0x0  }
0x14: {  	s2 =	sld [smem:$0x3F93];
	s0 =	simm.s32 @p1 $0x1  }
0x15: {  	[smem:$0x3FB0] =	sst s0;
	s0 =	simm.s32 @!p2 $0x0  }
0x16: {  	s3 =	sld [smem:$0x3FDB];
	s0 =	simm.s32 @p2 $0x1  }
0x17: {  	s4 =	simm.s32 $0x1BF5;
	[smem:$0x3FB2] =	sst s0  }
0x18: {  	s0 =	sld [smem:$0x3F95];
	_ =	swait.ge [sflag:s4], $0x0  }
0x19: {  	s7 =	sld [smem:$0x3F96]  }
0x1a: {  	s8 =	sadd.s32 $0xFFFFE003, lr  }
0x1b: {  	s9 =	sadd.s32 $0xFFFFFEF7, lr;
	s5 =	simm.s32 $0xFFFFFFFF;
	p2 =	slt.u32 s8, $0xFFFFF086  }
0x1c: {  	p1 =	slt.u32 s9, $0xF7A;
	s5 =	simm.s32 @!p2 $0x0  }
0x1d: {  	s5 =	simm.s32 @p1 $0x1;
	p0 =	seq.s32 s7, s2  }
0x1e: {  	s7 =	smul.u32 @!p0 $0xF7A, s2;
	p2 =	seq.s32 @!p0 s5, $0x0  }
0x1f: {  	s9 =	smul.u32 $0xF7A, s1;
	s8 =	simm.s32 @!p0 $0x1BF5;
	p2 =	por !p2, p0  }
0x20: {  	[sflag:s8] =	ssyncset.s32 @!p0 $0xFFFFF086;
	s6 =	sadd.s32 @!p0 s3, s7;
	s7 =	simm.s32 @!p0 $0x108  }
0x21: {  	s3 =	sadd.s32 s3, s9;
	s6 =	sadd.s32 @!p0 $0x88, s6;
	s7 =	simm.s32 @p2 $0x1082  }
0x22: {  	[simem:s7], [sflag:s8] =	dma.local @!p0 [hbm:s6], $0xF7A  }
0x23: {  	s9 =	sor.u32 $0xD0000000, s2;
	s6 =	simm.s32 $0x108;
	_ =	swait.ge @!p0 [sflag:s8], $0x0  }
0x24: {  	s3 =	sadd.s32 $0x88, s3;
	s6 =	simm.s32 @!p1 $0x1082;
	[sflag:s4] =	ssyncset.s32 $0xFFFFF086  }
0x25: {  	[simem:s6], [sflag:s4] =	dma.local [hbm:s3], $0xF7A  }
0x26: {  	[smem:$0x3F96] =	sst s1;
	(tag) =	ssettag s2;
	_ =	strace s9  }
0x27: {  	s1 =	sld [smem:$0x3FA6]  }
0x28: {  	s2 =	sld [smem:$0x3FA7]  }
0x29: {  	s4 =	sld [smem:$0x3FA9]  }
0x2a: {  	p0 =	seq.s32 s5, $0x0;
	s5 =	sld [smem:$0x3FAA]  }
0x2b: {  	s6 =	sld [smem:$0x3FAB]  }
0x2c: {  	s7 =	sld [smem:$0x3FAC]  }
0x2d: {  	s3 =	simm.s32 $0x108;
	s8 =	sld [smem:$0x3FAD]  }
0x2e: {  	s3 =	simm.s32 @!p0 $0x1082;
	s9 =	sld [smem:$0x3FAE]  }
0x2f: {  	lr =	sadd.s32 s0, s3;
	s0 =	sld [smem:$0x3FA5]  }
0x30: {  	s3 =	sld [smem:$0x3FA8]  }
0x31: {  	[smem:$0x3FB1] =	sst s10  }
0x32: {  	s10 =	sld [smem:$0x3FAF];
	_ =	sdelay $0x3  }
0x33: {  	p0 =	seq.s32 s10, $0x1;
	s10 =	sld [smem:$0x3FB1];
	_ =	sdelay $0x3  }
0x34: {  	[smem:$0x3FB1] =	sst s10  }
0x35: {  	s10 =	sld [smem:$0x3FB0];
	_ =	sdelay $0x3  }
0x36: {  	p1 =	seq.s32 s10, $0x1;
	s10 =	sld [smem:$0x3FB1];
	_ =	sdelay $0x3  }
0x37: {  	[smem:$0x3FB1] =	sst s10  }
0x38: {  	s10 =	sld [smem:$0x3FB2]  }
0x39: {  	_ = 	snop;
	(pc) =	sbr.ind lr, $3  }
0x3a: {  	_ = 	snop  }
0x3b: {  	_ = 	snop  }
0x3c: {  	p2 =	seq.s32 s10, $0x1;
	s10 =	sld [smem:$0x3FB1]  }
0x3d: {  	_ =	shalt  }
0x3e: {  	_ =	shalt  }
0x3f: {  	_ =	shalt  }
0x40: {  	_ =	shalt  }
0x41: {  	_ =	shalt  }
0x42: {  	_ =	shalt  }
0x43: {  	_ =	shalt  }
0x44: {  	_ =	shalt  }
0x45: {  	_ =	shalt  }
0x46: {  	_ =	shalt  }
0x47: {  	_ =	shalt  }
0x48: {  	_ =	shalt  }
0x49: {  	_ =	shalt  }
0x4a: {  	_ =	shalt  }
0x4b: {  	_ =	shalt  }
0x4c: {  	_ =	shalt  }
0x4d: {  	_ =	shalt  }
0x4e: {  	_ =	shalt  }
0x4f: {  	_ =	shalt  }
0x50: {  	_ =	shalt  }
0x51: {  	_ =	shalt  }
0x52: {  	_ =	shalt  }
0x53: {  	_ =	shalt  }
0x54: {  	_ =	shalt  }
0x55: {  	_ =	shalt  }
0x56: {  	_ =	shalt  }
0x57: {  	_ =	shalt  }
0x58: {  	_ =	shalt  }
0x59: {  	_ =	shalt  }
0x5a: {  	_ =	shalt  }
0x5b: {  	_ =	shalt  }
0x5c: {  	_ =	shalt  }
0x5d: {  	_ =	shalt  }
0x5e: {  	_ =	shalt  }
0x5f: {  	_ =	shalt  }
0x60: {  	_ =	shalt  }
0x61: {  	_ =	shalt  }
0x62: {  	_ =	shalt  }
0x63: {  	_ =	shalt  }
0x64: {  	_ =	shalt  }
0x65: {  	_ =	shalt  }
0x66: {  	_ =	shalt  }
0x67: {  	_ =	shalt  }
0x68: {  	_ =	shalt  }
0x69: {  	_ =	shalt  }
0x6a: {  	_ =	shalt  }
0x6b: {  	_ =	shalt  }
0x6c: {  	_ =	shalt  }
0x6d: {  	_ =	shalt  }
0x6e: {  	_ =	shalt  }
0x6f: {  	_ =	shalt  }
0x70: {  	_ =	shalt  }
0x71: {  	_ =	shalt  }
0x72: {  	_ =	shalt  }
0x73: {  	_ =	shalt  }
0x74: {  	_ =	shalt  }
0x75: {  	_ =	shalt  }
0x76: {  	_ =	shalt  }
0x77: {  	_ =	shalt  }
0x78: {  	_ =	shalt  }
0x79: {  	_ =	shalt  }
0x7a: {  	_ =	shalt  }
0x7b: {  	_ =	shalt  }
0x7c: {  	_ =	shalt  }
0x7d: {  	_ =	shalt  }
0x7e: {  	_ =	shalt  }
0x7f: {  	_ =	shalt  }
0x80: {  	_ =	shalt  }
0x81: {  	_ =	shalt  }
0x82: {  	_ =	shalt  }
0x83: {  	_ =	shalt  }
0x84: {  	_ =	shalt  }
0x85: {  	_ =	shalt  }
0x86: {  	_ =	shalt  }
0x87: {  	_ =	shalt  }
.Lfunc_end0:
.L_simem_size_0:
called_computation_lowered:
.L_overlay_start_0:
0x88: {  	s2 =	sld [smem:$0x3FD9]  }
0x89: {  	s3 =	sld [smem:$0x3FFE];
	_ =	sdelay $0x1  }
0x8a: {  	s1 =	srdreg.scid  }
0x8b: {  	s0 =	sand.u32 $0x1, s1  }
0x8c: {  	s16 =	sshll.u32 s0, $0xA;
	s2 =	sadd.s32 s3, s2  }
0x8d: {  	s2 =	sadd.s32 s2, s16  }
0x8e: {  	[smem:$0x3FBD] =	sst s2  }
0x8f: {  	_ = 	snop  }
0x90: {  	(tm) =	ssettm $0x1  }
0x91: {  	s17 =	sld [smem:$0x3FFB];
	_ =	sdelay $0x3  }
0x92: {  	_ =	strace s17  }
0x93: {  	s2 =	sld [smem:$0x3FFC];
	_ =	sdelay $0x3  }
0x94: {  	_ =	strace s2  }
0x95: {  	s2 =	sld [smem:$0x3FFD];
	_ =	sdelay $0x3  }
0x96: {  	_ =	strace s2  }
0x97: {  	_ =	strace $0x8FFFFFFF  }
0x98: {  	s18 =	sld [smem:$0x3FDB];
	_ =	sdelay $0x1  }
0x99: {  	s19 =	simm.s32 $_scs_section_size  }
0x9a: {  	s4 =	simm.s32 $_size__tile_overlayer_lowered;
	s5 =	simm.s32 $_tile_overlayer_lowered  }
0x9b: {  	s22 =	simm.s32 $0x1BFF;
	s21 =	sshll.u32 s5, $0x1;
	s2 =	sadd.s32 s19, s18  }
0x9c: {  	s6 =	simm.s32 $0x0;
	s20 =	sshll.u32 s4, $0x1;
	s4 =	sadd.s32 s21, s2  }
0x9d: {  	[timem:s6], [sflag:s22] =	dma.local [hbm:s4], s20  }
0x9e: {  	_ =	swait.ge [sflag:s22], s20  }
0x9f: {  	s3 =	ssub.s32 $0x0, s20;
	[sflag:s22] =	ssyncset.done $0x0  }
0xa0: {  	[sflag:s22] =	ssyncadd.s32 s3;
	_ =	sdelay $0x1  }
0xa1: {  	s23 =	simm.s32 $0x1B8B  }
0xa2: {  	_ =	swait.ge [sflag:s23], $0x1  }
0xa3: {  	[sflag:s23] =	ssyncset.done $0x0  }
0xa4: {  	s25 =	simm.s32 $0x1B8E;
	s24 =	sld [smem:$0x3FFE];
	[sflag:s23] =	ssyncadd.s32 $0xFFFFFFFF  }
0xa5: {  	s26 =	simm.s32 $execute0_lowered;
	[smem:$0x3FD2] =	sst s25  }
0xa6: {  	s4 =	sshll.u32 s26, $0x1;
	_ =	strace $0x80000046;
	[dreg:$0x1] =	wrdreg $0xFFFFFFFF  }
0xa7: {  	s28 =	simm.s32 $_size_execute0_lowered;
	s2 =	sadd.s32 s2, s4;
	[dreg:$0x0] =	wrdreg $0x0  }
0xa8: {  	s4 =	sshll.u32 s28, $0x1;
	[dreg:$0x2] =	wrdreg s2  }
0xa9: {  	[dreg:$0x3] =	wrdreg s4  }
0xaa: {  	[dreg:$0x4] =	wrdreg $0xC0  }
0xab: {  	_ =	task [dreg:s6], $0x5FFFF  }
0xac: {  	[dreg:$0x1] =	wrdreg $0xFFFFFFFF  }
0xad: {  	[dreg:$0x0] =	wrdreg $0x60  }
0xae: {  	[dreg:$0x2] =	wrdreg s24  }
0xaf: {  	[dreg:$0x3] =	wrdreg $0x9  }
0xb0: {  	_ =	task.clear_ibuf [dreg:s6], $0x4FFFF;
	_ =	strace $0x90000046  }
0xb1: {  	s29 =	simm.s32 $0x9;
	_ =	strace $0x80000048  }
0xb2: {  	_ =	swait.ge [sflag:s29], $0x1  }
0xb3: {  	[sflag:s29] =	ssyncadd.s32 $0xFFFFFFFF  }
0xb4: {  	_ =	strace $0x90000048  }
0xb5: {  	_ =	sfence  }
0xb6: {  	s30 =	sld [smem:$0x0];
	_ =	sdelay $0x2  }
0xb7: {  	s31 =	sshll.u32 s1, $0xD;
	s1 =	sshrl.u32 s1, $0x2  }
0xb8: {  	s3 =	sand.u32 $0x4000, s31;
	s1 =	sadd.s32 s1, s30  }
0xb9: {  	s0 =	sor.u32 s3, s0;
	s1 =	sshll.u32 s1, $0x11  }
0xba: {  	s0 =	sor.u32 s1, s0  }
0xbb: {  	s0 =	sadd.s32 $0x8F2B, s0  }
0xbc: {  	[sflag:s0] =	ssyncadd.remote.s32 $0x1  }
0xbd: {  	_ =	sfence.sel $0xFFFF  }
0xbe: {  	[dreg:$0x0] =	wrdreg $0xFFFFFFFF;
	(pc) =	sbr.abs _section_cstart, $3  }
0xbf: {  	[dreg:$0x1] =	wrdreg $0xFFFFFFFF  }
0xc0: {  	_ =	task.clear_ibuf [dreg:s6], $0x2FFFF;
	_ =	strace $0x9FFFFFFF  }
0xc1: {  	(tm) =	ssettm $0x7FFFFFFF  }
tec
execute0_lowered:
.L_overlay_start_1:
0x0: {  	(tag) =	ssettag $0x1  }
0x1: {  	s1 =	srdreg.scid;
	s0 =	stileid.u32  }
0x2: {  	s4 =	rddreg [dreg:$0x0];
	s2 =	simm.s32 $0x0;
	s9 =	simm.s32 $0x80  }
0x3: {  	s10 =	simm.s32 $0x1;
	s5 =	sand.u32 $0x1, s1;
	s3 =	sshll.u32 s0, $0x1  }
0x4: {  	s11 =	simm.s32 $0x2;
	s12 =	simm.s32 $0xF000;
	s6 =	sor.u32 s5, s3  }
0x5: {  	s13 =	simm.s32 $0x0;
	[smem:$0x7FF] =	sst s2;
	s7 =	smul.u32 $0x2710, s6  }
0x6: {  	s1 =	rddreg [dreg:$0x1];
	_ =	strace $0x80000047;
	s3 =	sadd.s32 $0x14A00, s4  }
0x7: {  	s5 =	ssub.s32 $0x2, s5;
	s6 =	sshll.u32 s6, $0x4;
	s7 =	sshrl.u32 s7, $0x3  }
0x8: {  	s8 =	sshrl.u32 s5, $0x1;
	s6 =	sadd.s32 s6, s4;
	s7 =	sadd.s32 s7, s4  }
0x9: {  	s8 =	ssub.s32 s5, s8;
	s6 =	sadd.s32 $0x3BC00, s6;
	s4 =	sadd.s32 $0x1000, s7  }
0xa: {  	s5 =	sadd.s32 $0xAC40, s7;
	s7 =	smax.u32 s8, $0x1;
	s8 =	simm.s32 $0x3  }
.LBB2_1:
0xb: {  	[tilespmem:s2], [sflag:$0x3] =	stream.linear.gather [hbm4b:s4+s2], $0x2710, $0x38;
	[tilespmem:$0xF080] =	vst v63  }
0xc: {  	_ =	swait.ge [sflag:s8], $0x2710  }
0xd: {  	[sflag:s8] =	ssyncset.done $0x0  }
0xe: {  	s14 =	simm.s32 $0x2800;
	[sflag:s8] =	ssyncadd.s32 $0xFFFFD8F0  }
0xf: {  	[tilespmem:s14], [sflag:$0x3] =	stream.linear.gather [hbm4b:s5+s2], $0x2710, $0x38;
	[tilespmem:$0xF080] =	vst v63  }
0x10: {  	_ =	swait.ge [sflag:s8], $0x2710  }
0x11: {  	[sflag:s8] =	ssyncset.done $0x0  }
0x12: {  	[sflag:s8] =	ssyncadd.s32 $0xFFFFD8F0  }
0x13: {  	v0 =	vld [tilespmem:s14+$0x0];
	_ =	sdelay $0x1  }
0x14: {  	v1 =	vld [tilespmem:s2+$0x0];
	_ =	sdelay $0x2  }
0x15: {  	v2 =	vmul.u32 $0x20C5, v0;
	_ =	sdelay $0x1  }
0x16: {  	v1 =	vshll.u32 v1, $0x7;
	v2 =	vshrl.u32 v2, $0x15  }
0x17: {  	p0 =	por $0x1, $0x1;
	v0 =	vshll.u32 v0, $0x7;
	v1 =	vadd.s32 v1, v2  }
0x18: {  	s14 =	simm.s32 $0x5000;
	v0 =	vor.u32 $0x28, v0;
	v1 =	vpsel !p0, $0x0, v1  }
0x19: {  	s15 =	simm.s32 $0x7800;
	v0 =	vpsel !p0, $0x138828, v0;
	[tilespmem:s14+$0x0] =	vst v1  }
0x1a: {  	s18 =	simm.s32 $0x2810;
	[tilespmem:s15+$0x0] =	vst v0  }
0x1b: {  	v0 =	vld [tilespmem:s18+$0x0]  }
0x1c: {  	s17 =	simm.s32 $0x10;
	s19 =	simm.s32 $0x20;
	s16 =	simm.s32 $0x10  }
.LBB2_2:
0x1d: {  	p0 =	sne.s32 s19, $0x27F0;
	v1 =	vld [tilespmem:s17+$0x0];
	_ =	sdelay $0x2  }
0x1e: {  	v2 =	vmul.u32 $0x20C5, v0;
	v0 =	vshll.u32 v0, $0x7;
	_ =	sdelay $0x1  }
0x1f: {  	v2 =	vshrl.u32 v2, $0x15;
	v1 =	vshll.u32 v1, $0x7  }
0x20: {  	p1 =	slt.u32 s16, $0x2710;
	s16 =	smov.u32 s19;
	v1 =	vadd.s32 v1, v2  }
.Ltmp0:
0x21: {  	s14 =	sadd.s32 $0x10, s14;
	v0 =	vor.u32 $0x28, v0;
	v1 =	vpsel !p1, $0x0, v1;
	(pc) =	sbr.rel @p0 .LBB2_2-.Ltmp0, $4  }
0x22: {  	s15 =	sadd.s32 $0x10, s15;
	v0 =	vpsel !p1, $0x138828, v0;
	[tilespmem:s14+$0x0] =	vst v1  }
0x23: {  	s18 =	sadd.s32 $0x10, s18;
	[tilespmem:s15+$0x0] =	vst v0  }
0x24: {  	v0 =	vld [tilespmem:s18+$0x0]  }
0x25: {  	s19 =	sadd.s32 $0x10, s19;
	s17 =	sadd.s32 $0x10, s17  }
0x26: {  	v1 =	vld [tilespmem:s17+$0x0];
	_ =	sdelay $0x2  }
0x27: {  	v2 =	vmul.u32 $0x20C5, v0;
	_ =	sdelay $0x1  }
0x28: {  	v2 =	vshrl.u32 v2, $0x15;
	v1 =	vshll.u32 v1, $0x7  }
0x29: {  	p0 =	slt.u32 s16, $0x2710;
	v63 =	vshll.u32 v0, $0x7;
	v1 =	vadd.s32 v1, v2  }
0x2a: {  	s14 =	sadd.s32 $0x10, s14;
	v0 =	vor.u32 $0x28, v63;
	v1 =	vpsel !p0, $0x0, v1  }
0x2b: {  	s29 =	sadd.s32 $0x10, s15;
	s30 =	simm.s32 $0xA000;
	s31 =	simm.s32 $0x5000;
	v0 =	vpsel !p0, $0x138828, v0;
	[tilespmem:s14+$0x0] =	vst v1  }
0x2c: {  	s15 =	simm.s32 $0xC800;
	s16 =	simm.s32 $0x7800;
	s14 =	simm.s32 $0x200;
	[tilespmem:s29+$0x0] =	vst v0  }
0x2d: {  	[tilespmem:s30], [sflag:$0x1] =	stream.indirect.gather [hbm4b:s3+s9], $0x1, s31, s9, $0xb8;
	[tilespmem:$0xF080] =	vst v63  }
.LBB2_4:
0x2e: {  	[tilespmem:s15], [sflag:$0x2] =	stream.indirect.gather [hbm4b:s3+s9], $0x1, s16, s9, $0xb8;
	[tilespmem:$0xF080] =	vst v63  }
0x2f: {  	s15 =	smov.u32 s14;
	p0 =	sne.s32 s14, $0x9E00  }
.Ltmp1:
0x30: {  	s14 =	sadd.s32 $0x200, s14;
	(pc) =	sbr.rel @p0 .LBB2_4-.Ltmp1, $4  }
0x31: {  	s16 =	sshra.s32 s15, $0x2  }
0x32: {  	s15 =	sadd.s32 $0xA000, s16;
	s17 =	sadd.s32 $0x5000, s16  }
0x33: {  	[tilespmem:s15], [sflag:$0x1] =	stream.indirect.gather [hbm4b:s3+s9], $0x1, s17, s9, $0xb8;
	[tilespmem:$0xF080] =	vst v63  }
0x34: {  	s15 =	sadd.s32 $0xC800, s16;
	s16 =	sadd.s32 $0x7800, s16  }
0x35: {  	[tilespmem:s15], [sflag:$0x2] =	stream.indirect.gather [hbm4b:s3+s9], $0x1, s16, s9, $0xb8;
	[tilespmem:$0xF080] =	vst v63  }
0x36: {  	_ =	swait.ge [sflag:s10], $0x80  }
0x37: {  	[sflag:s10] =	ssyncset.done $0x0  }
0x38: {  	[sflag:s10] =	ssyncadd.s32 $0xFFFFFF80  }
0x39: {  	_ =	swait.ge [sflag:s11], $0x80  }
0x3a: {  	s14 =	simm.s32 $0x4F;
	[sflag:s11] =	ssyncset.done $0x0  }
.LBB2_6:
0x3b: {  	p0 =	sne.s32 s14, $0x1;
	s14 =	sadd.s32 $0xFFFFFFFF, s14;
	[sflag:s11] =	ssyncadd.s32 $0xFFFFFF80  }
.Ltmp2:
0x3c: {  	_ =	swait.ge [sflag:s10], $0x80;
	(pc) =	sbr.rel @p0 .LBB2_6-.Ltmp2, $4  }
0x3d: {  	[sflag:s10] =	ssyncset.done $0x0  }
0x3e: {  	[sflag:s10] =	ssyncadd.s32 $0xFFFFFF80  }
0x3f: {  	_ =	swait.ge [sflag:s11], $0x80  }
0x40: {  	[sflag:s11] =	ssyncset.done $0x0  }
0x41: {  	[sflag:s11] =	ssyncadd.s32 $0xFFFFFF80;
	s15 =	simm.s32 $0x0  }
0x42: {  	v1 =	vld [tilespmem:s15+$0xA000]  }
0x43: {  	v0 =	vimm.f32 $0.0e+00;
	s14 =	simm.s32 $0x40;
	v2 =	vld [tilespmem:s15+$0xC800]  }
.LBB2_8:
0x44: {  	_ = 	snop  }
0x45: {  	p0 =	sne.s32 s14, $0x9FC0  }
.Ltmp3:
0x46: {  	_ = 	snop;
	(pc) =	sbr.rel @p0 .LBB2_8-.Ltmp3, $4  }
0x47: {  	_ = 	snop  }
0x48: {  	s15 =	sshra.s32 s14, $0x2;
	v3 =	vmul.f32 v2, v1  }
0x49: {  	v1 =	vld [tilespmem:s15+$0xA000]  }
0x4a: {  	s14 =	sadd.s32 $0x40, s14;
	v2 =	vld [tilespmem:s15+$0xC800];
	v0 =	vadd.f32 v3, v0  }
0x4b: {  	_ =	sdelay $0x3  }
0x4c: {  	v1 =	vmul.f32 v2, v1;
	_ =	sdelay $0x1  }
0x4d: {  	s13 =	sadd.s32 $0x1, s13;
	v0 =	vadd.f32 v1, v0  }
0x4e: {  	p0 =	sne.s32 s13, s7  }
.Ltmp4:
0x4f: {  	[tilespmem:$0xF000] =	vst v0;
	(pc) =	sbr.rel @p0 .LBB2_1-.Ltmp4, $4  }
0x50: {  	[hbm4b:s6+s2] =	stream.linear.scatter [tilespmem:s12], [sflag:$0x3], $0x80, $0x38;
	[tilespmem:$0xF080] =	vst v63  }
0x51: {  	_ =	swait.ge [sflag:s8], $0x80  }
0x52: {  	[sflag:s8] =	ssyncset.done $0x0  }
0x53: {  	[sflag:s8] =	ssyncadd.s32 $0xFFFFFF80  }
0x54: {  	_ =	sfence.sel $0x180000  }
0x55: {  	[bflag:$0x0] =	sbarrier.arrive $0xFFFF  }
0x56: {  	p0 =	sne.s32 s0, $0x0;
	_ =	strace $0x90000047  }
0x57: {  	s0 =	sadd.s32 @!p0 $0x100000, s1;
	[bflag:$0x2] =	sbarrier.arrive $0xFFFF  }
0x58: {  	[sflag:s0] =	ssyncadd.tile.s32 @!p0 $0x1;
	_ =	shalt  }
.Lfunc_end2:
_tile_overlayer_lowered:
.L_overlay_start_2:
0x59: {  	(tag) =	ssettag $0x2  }
0x5a: {  	s0 =	rddreg [dreg:$0x0];
	s2 =	stileid.u32  }
0x5b: {  	s1 =	rddreg [dreg:$0x1];
	p0 =	sne.s32 s2, $0x0  }
0x5c: {  	s3 =	rddreg [dreg:$0x2];
	[bflag:$0x3] =	sbarrier.arrive $0xFFFF;
	s2 =	simm.s32 @!p0 $0x1C03  }
0x5d: {  	[timem:s3], [sflag:s2] =	dma.local @!p0 [hbm:s0], s1  }
0x5e: {  	s0 =	simm.s32 @!p0 $0x3  }
0x5f: {  	_ =	swait.ge @!p0 [sflag:s0], s1  }
0x60: {  	s1 =	ssub.s32 @!p0 $0x0, s1;
	[sflag:s0] =	ssyncset.done @!p0 $0x0  }
0x61: {  	[sflag:s0] =	ssyncadd.s32 @!p0 s1  }
0x62: {  	[bflag:$0x3] =	sbarrier.arrive $0xFFFF  }
0x63: {  	_ =	shalt  }

</sc_bundles>
